<compile_context>
chip_gen: v7x
topology: tpu7x:2x2x1
jax: 0.10.2.dev20260603
libtpu: 0.0.44.dev20260713+nightly
codegen_flags: <defaults>
</compile_context>

<pallas_src>
import functools

import jax
import jax.numpy as jnp
from jax import lax
from jax.experimental import pallas as pl
from jax.experimental.pallas import tpu as pltpu
from jax.experimental.pallas import tpu_sc as plsc

_NW = 32
_P = 784
_BP = 512


def _idx_body(a_ref, bnd_ref, str_ref, off_ref, c_ref, idx_ref):
    vox_f = jnp.round(jnp.dot(c_ref[...], a_ref[...]))
    vox = jnp.clip(vox_f, 0.0, bnd_ref[...]).astype(jnp.int32)
    base = jnp.sum(vox * str_ref[...], axis=1, keepdims=True)
    idx_ref[...] = base + off_ref[...]


def _softmax_body(g_ref, out_ref):
    x = g_ref[...]
    m = jnp.max(x, axis=1, keepdims=True)
    e = jnp.exp(x - m)
    y = e / jnp.sum(e, axis=1, keepdims=True)
    out_ref[...] = jnp.concatenate(
        [y, jnp.zeros((y.shape[0], 1), y.dtype)], axis=1)


def _make_sc_gather(B, C, b_per_w):
    n_chunks = b_per_w // _P
    chunk = _P * C
    mesh = plsc.VectorSubcoreMesh(core_axis_name="c", subcore_axis_name="s")

    @functools.partial(
        pl.kernel,
        mesh=mesh,
        compiler_params=pltpu.CompilerParams(use_tc_tiling_on_sc=False),
        out_type=jax.ShapeDtypeStruct((B * C,), jnp.float32),
        scratch_types=[
            pltpu.VMEM((chunk,), jnp.int32),
            pltpu.VMEM((chunk,), jnp.float32),
            pltpu.SemaphoreType.DMA,
        ],
    )
    def gk(idx_hbm, table_hbm, out_hbm, idx_v, g_v, sem):
        wid = lax.axis_index("s") * 2 + lax.axis_index("c")
        for k in range(n_chunks):
            off = (wid * n_chunks + k) * chunk
            pltpu.sync_copy(idx_hbm.at[pl.ds(off, chunk)], idx_v)
            pltpu.async_copy(table_hbm.at[idx_v], g_v, sem).wait()
            pltpu.sync_copy(g_v, out_hbm.at[pl.ds(off, chunk)])

    return gk


def kernel(streamlines, padding_mask, step, fodf, affine, inverse_affine):
    N = streamlines.shape[0]
    xdim, ydim, zdim, C = fodf.shape

    per_blk = _NW * _P
    b_per_w = -(-N // per_blk) * _P
    B = b_per_w * _NW

    coords = lax.dynamic_index_in_dim(streamlines, step, axis=1,
                                      keepdims=False)
    ones = jnp.ones((N, 1), streamlines.dtype)
    coords_h = jnp.pad(jnp.concatenate([coords, ones], axis=1),
                       ((0, B - N), (0, 0)))

    amat = inverse_affine[:3, :].T
    bnd = jnp.array([[xdim - 1, ydim - 1, zdim - 1]], jnp.float32)
    strides = jnp.array(
        [[ydim * zdim * C, zdim * C, C]], jnp.int32)
    offs = jnp.arange(C, dtype=jnp.int32)[None, :]

    idx = pl.pallas_call(
        _idx_body,
        grid=(B // _BP,),
        out_shape=jax.ShapeDtypeStruct((B, C), jnp.int32),
        in_specs=[
            pl.BlockSpec((4, 3), lambda i: (0, 0)),
            pl.BlockSpec((1, 3), lambda i: (0, 0)),
            pl.BlockSpec((1, 3), lambda i: (0, 0)),
            pl.BlockSpec((1, C), lambda i: (0, 0)),
            pl.BlockSpec((_BP, 4), lambda i: (i, 0)),
        ],
        out_specs=pl.BlockSpec((_BP, C), lambda i: (i, 0)),
    )(amat, bnd, strides, offs, coords_h)

    table = fodf.reshape(-1)
    gathered = _make_sc_gather(B, C, b_per_w)(idx.reshape(-1), table)

    out = pl.pallas_call(
        _softmax_body,
        grid=(B // _BP,),
        out_shape=jax.ShapeDtypeStruct((B, C + 1), jnp.float32),
        in_specs=[pl.BlockSpec((_BP, C), lambda i: (i, 0))],
        out_specs=pl.BlockSpec((_BP, C + 1), lambda i: (i, 0)),
    )(gathered.reshape(B, C))

    return out[:N]

# --- scband reference (transcript-rebuilt; emitter-appended) ---
"""Pipeline reference for scband-debug-model-21981642621175 (READ-ONLY COPY).

The authoritative reference and input builder live on the scoring server;
editing this copy changes nothing except your own understanding.
"""

import jax, jax.numpy as jnp
import numpy as np

X, Y, Z, C = 128, 128, 128, 45
N, S = 50000, 128


def ras_to_voxel(ras_coords, inverse_affine):
    # homogeneous coords: [x, y, z, 1] @ inv_affine^T, then round to voxel indices
    ones = jnp.ones((ras_coords.shape[0], 1), dtype=ras_coords.dtype)
    homo = jnp.concatenate([ras_coords, ones], axis=1)
    vox = homo @ inverse_affine.T
    vox = jnp.round(vox[:, :3])
    vox = jax.lax.stop_gradient(vox)
    return vox.astype(jnp.int32)


def setup_inputs(seed: int = 0) -> dict:
    key = jax.random.key(seed)
    k1, k2 = jax.random.split(key, 2)
    # RAS coordinates uniformly inside the volume so voxel indices are in-range
    streamlines = jax.random.uniform(k1, (N, S, 3), dtype=jnp.float32) * (X - 1)
    padding_mask = jnp.ones((N, S), dtype=bool)
    # "learned"/constructor tensors per init_kwargs
    fodf = jax.random.normal(k2, (X, Y, Z, C), dtype=jnp.float32)
    affine = jnp.eye(4, dtype=jnp.float32)
    inverse_affine = jnp.eye(4, dtype=jnp.float32)
    return {
        "streamlines": streamlines,
        "padding_mask": padding_mask,
        "step": 10,
        "fodf": fodf,
        "affine": affine,
        "inverse_affine": inverse_affine,
    }


def reference(streamlines, padding_mask, step, fodf, affine, inverse_affine):
    ras_coords = streamlines[:, step, :]
    voxel_coords = ras_to_voxel(ras_coords, inverse_affine)
    x_coords = voxel_coords[:, 0]
    y_coords = voxel_coords[:, 1]
    z_coords = voxel_coords[:, 2]
    # volumetric gather: fodf[x, y, z] -> [N, C]
    fodf_result = fodf[x_coords, y_coords, z_coords]
    fodf_result = jax.nn.softmax(fodf_result, axis=-1)
    zeros = jnp.zeros((fodf_result.shape[0], 1), dtype=fodf_result.dtype)
    returned_fodf = jnp.concatenate([fodf_result, zeros], axis=-1)
    return returned_fodf

if __name__ == "__main__":
    import jax
    _d = setup_inputs()
    print(jax.jit(kernel)(*tuple(_d.values())))

</pallas_src>

<mosaic_0001>
#map = affine_map<(d0, d1) -> (0)>
module attributes {stable_mosaic.version = 14 : i64} {
  func.func @gk(%arg0: i32, %arg1: i32, %arg2: memref<2257920xi32, #tpu.memory_space<hbm>>, %arg3: memref<94371840xf32, #tpu.memory_space<hbm>>, %arg4: memref<2257920xf32, #tpu.memory_space<hbm>>, %arg5: memref<35280xi32, #tpu.memory_space<vmem>>, %arg6: memref<35280xf32, #tpu.memory_space<vmem>>, %arg7: memref<!tpu.dma_semaphore, #tpu.memory_space<semaphore_mem>>) attributes {dimension_semantics = [#tpu.dimension_semantics<core_parallel>, #tpu.dimension_semantics<subcore_parallel>], iteration_bounds = array<i64: 2, 16>, scalar_prefetch = 0 : i64, scratch_operands = 3 : i64, tpu.core_type = #tpu.core_type<sc_vector_subcore>, window_params = [{transform_indices = #map}, {transform_indices = #map}, {transform_indices = #map}]} {
    %mul3A = arith.constant 2 : i32
    %mul3A_0 = arith.muli %arg1, %mul3A : i32
    %add3A = arith.addi %mul3A_0, %arg0 : i32
    %mul3A_1 = arith.constant 2 : i32
    %mul3A_2 = arith.muli %add3A, %mul3A_1 : i32
    %add3A_3 = arith.constant 0 : i32
    %add3A_4 = arith.addi %mul3A_2, %add3A_3 : i32
    %mul3A_5 = arith.constant 35280 : i32
    %mul3A_6 = arith.muli %add3A_4, %mul3A_5 : i32
    "tpu.region"() ({
      %run_scoped3A = tpu.sem_alloc : memref<!tpu.dma_semaphore, #tpu.memory_space<semaphore_mem>>
      %dma_start3A_19 = tpu.memref_slice %arg2[%mul3A_6] : memref<2257920xi32, #tpu.memory_space<hbm>> -> memref<35280xi32, #tpu.memory_space<hbm>>
      %dma_start3A_20 = tpu.memref_slice %arg2[%mul3A_6] : memref<2257920xi32, #tpu.memory_space<hbm>> -> memref<35280xi32, #tpu.memory_space<hbm>>
      tpu.enqueue_dma source(%dma_start3A_20 : memref<35280xi32, #tpu.memory_space<hbm>>) target(%arg5 : memref<35280xi32, #tpu.memory_space<vmem>>) target_semaphore(%run_scoped3A : memref<!tpu.dma_semaphore, #tpu.memory_space<semaphore_mem>>)
      %dma_wait3A_21 = tpu.memref_slice %arg2[%mul3A_6] : memref<2257920xi32, #tpu.memory_space<hbm>> -> memref<35280xi32, #tpu.memory_space<hbm>>
      %dma_wait3A_22 = tpu.memref_slice %arg2[%mul3A_6] : memref<2257920xi32, #tpu.memory_space<hbm>> -> memref<35280xi32, #tpu.memory_space<hbm>>
      tpu.wait_dma2 semaphore(%run_scoped3A : memref<!tpu.dma_semaphore, #tpu.memory_space<semaphore_mem>>) src(%dma_wait3A_22 : memref<35280xi32, #tpu.memory_space<hbm>>) dst(%arg5 : memref<35280xi32, #tpu.memory_space<vmem>>)
      tpu.yield
    }) : () -> ()
    %dma_start3A = arith.constant 0 : i32
    %dma_start3A_7 = tpu.memref_slice %arg3[%dma_start3A] : memref<94371840xf32, #tpu.memory_space<hbm>> -> memref<94371840xf32, #tpu.memory_space<hbm>>
    tpu.enqueue_indirect_dma source(%dma_start3A_7 : memref<94371840xf32, #tpu.memory_space<hbm>>) target(%arg6 : memref<35280xf32, #tpu.memory_space<vmem>>) offsets(%arg5 : memref<35280xi32, #tpu.memory_space<vmem>>) semaphore(%arg7 : memref<!tpu.dma_semaphore, #tpu.memory_space<semaphore_mem>>)
    %dma_wait3A = arith.constant 0 : i32
    %dma_wait3A_8 = tpu.memref_slice %arg3[%dma_wait3A] : memref<94371840xf32, #tpu.memory_space<hbm>> -> memref<94371840xf32, #tpu.memory_space<hbm>>
    tpu.wait_indirect_dma semaphore(%arg7 : memref<!tpu.dma_semaphore, #tpu.memory_space<semaphore_mem>>) src(%dma_wait3A_8 : memref<94371840xf32, #tpu.memory_space<hbm>>) dst(%arg6 : memref<35280xf32, #tpu.memory_space<vmem>>)
    "tpu.region"() ({
      %run_scoped3A = tpu.sem_alloc : memref<!tpu.dma_semaphore, #tpu.memory_space<semaphore_mem>>
      %dma_start3A_19 = tpu.memref_slice %arg4[%mul3A_6] : memref<2257920xf32, #tpu.memory_space<hbm>> -> memref<35280xf32, #tpu.memory_space<hbm>>
      %dma_start3A_20 = tpu.memref_slice %arg4[%mul3A_6] : memref<2257920xf32, #tpu.memory_space<hbm>> -> memref<35280xf32, #tpu.memory_space<hbm>>
      tpu.enqueue_dma source(%arg6 : memref<35280xf32, #tpu.memory_space<vmem>>) target(%dma_start3A_20 : memref<35280xf32, #tpu.memory_space<hbm>>) target_semaphore(%run_scoped3A : memref<!tpu.dma_semaphore, #tpu.memory_space<semaphore_mem>>)
      %dma_wait3A_21 = tpu.memref_slice %arg4[%mul3A_6] : memref<2257920xf32, #tpu.memory_space<hbm>> -> memref<35280xf32, #tpu.memory_space<hbm>>
      %dma_wait3A_22 = tpu.memref_slice %arg4[%mul3A_6] : memref<2257920xf32, #tpu.memory_space<hbm>> -> memref<35280xf32, #tpu.memory_space<hbm>>
      tpu.wait_dma2 semaphore(%run_scoped3A : memref<!tpu.dma_semaphore, #tpu.memory_space<semaphore_mem>>) src(%arg6 : memref<35280xf32, #tpu.memory_space<vmem>>) dst(%dma_wait3A_22 : memref<35280xf32, #tpu.memory_space<hbm>>)
      tpu.yield
    }) : () -> ()
    %mul3A_9 = arith.constant 2 : i32
    %mul3A_10 = arith.muli %add3A, %mul3A_9 : i32
    %add3A_11 = arith.constant 1 : i32
    %add3A_12 = arith.addi %mul3A_10, %add3A_11 : i32
    %mul3A_13 = arith.constant 35280 : i32
    %mul3A_14 = arith.muli %add3A_12, %mul3A_13 : i32
    "tpu.region"() ({
      %run_scoped3A = tpu.sem_alloc : memref<!tpu.dma_semaphore, #tpu.memory_space<semaphore_mem>>
      %dma_start3A_19 = tpu.memref_slice %arg2[%mul3A_14] : memref<2257920xi32, #tpu.memory_space<hbm>> -> memref<35280xi32, #tpu.memory_space<hbm>>
      %dma_start3A_20 = tpu.memref_slice %arg2[%mul3A_14] : memref<2257920xi32, #tpu.memory_space<hbm>> -> memref<35280xi32, #tpu.memory_space<hbm>>
      tpu.enqueue_dma source(%dma_start3A_20 : memref<35280xi32, #tpu.memory_space<hbm>>) target(%arg5 : memref<35280xi32, #tpu.memory_space<vmem>>) target_semaphore(%run_scoped3A : memref<!tpu.dma_semaphore, #tpu.memory_space<semaphore_mem>>)
      %dma_wait3A_21 = tpu.memref_slice %arg2[%mul3A_14] : memref<2257920xi32, #tpu.memory_space<hbm>> -> memref<35280xi32, #tpu.memory_space<hbm>>
      %dma_wait3A_22 = tpu.memref_slice %arg2[%mul3A_14] : memref<2257920xi32, #tpu.memory_space<hbm>> -> memref<35280xi32, #tpu.memory_space<hbm>>
      tpu.wait_dma2 semaphore(%run_scoped3A : memref<!tpu.dma_semaphore, #tpu.memory_space<semaphore_mem>>) src(%dma_wait3A_22 : memref<35280xi32, #tpu.memory_space<hbm>>) dst(%arg5 : memref<35280xi32, #tpu.memory_space<vmem>>)
      tpu.yield
    }) : () -> ()
    %dma_start3A_15 = arith.constant 0 : i32
    %dma_start3A_16 = tpu.memref_slice %arg3[%dma_start3A_15] : memref<94371840xf32, #tpu.memory_space<hbm>> -> memref<94371840xf32, #tpu.memory_space<hbm>>
    tpu.enqueue_indirect_dma source(%dma_start3A_16 : memref<94371840xf32, #tpu.memory_space<hbm>>) target(%arg6 : memref<35280xf32, #tpu.memory_space<vmem>>) offsets(%arg5 : memref<35280xi32, #tpu.memory_space<vmem>>) semaphore(%arg7 : memref<!tpu.dma_semaphore, #tpu.memory_space<semaphore_mem>>)
    %dma_wait3A_17 = arith.constant 0 : i32
    %dma_wait3A_18 = tpu.memref_slice %arg3[%dma_wait3A_17] : memref<94371840xf32, #tpu.memory_space<hbm>> -> memref<94371840xf32, #tpu.memory_space<hbm>>
    tpu.wait_indirect_dma semaphore(%arg7 : memref<!tpu.dma_semaphore, #tpu.memory_space<semaphore_mem>>) src(%dma_wait3A_18 : memref<94371840xf32, #tpu.memory_space<hbm>>) dst(%arg6 : memref<35280xf32, #tpu.memory_space<vmem>>)
    "tpu.region"() ({
      %run_scoped3A = tpu.sem_alloc : memref<!tpu.dma_semaphore, #tpu.memory_space<semaphore_mem>>
      %dma_start3A_19 = tpu.memref_slice %arg4[%mul3A_14] : memref<2257920xf32, #tpu.memory_space<hbm>> -> memref<35280xf32, #tpu.memory_space<hbm>>
      %dma_start3A_20 = tpu.memref_slice %arg4[%mul3A_14] : memref<2257920xf32, #tpu.memory_space<hbm>> -> memref<35280xf32, #tpu.memory_space<hbm>>
      tpu.enqueue_dma source(%arg6 : memref<35280xf32, #tpu.memory_space<vmem>>) target(%dma_start3A_20 : memref<35280xf32, #tpu.memory_space<hbm>>) target_semaphore(%run_scoped3A : memref<!tpu.dma_semaphore, #tpu.memory_space<semaphore_mem>>)
      %dma_wait3A_21 = tpu.memref_slice %arg4[%mul3A_14] : memref<2257920xf32, #tpu.memory_space<hbm>> -> memref<35280xf32, #tpu.memory_space<hbm>>
      %dma_wait3A_22 = tpu.memref_slice %arg4[%mul3A_14] : memref<2257920xf32, #tpu.memory_space<hbm>> -> memref<35280xf32, #tpu.memory_space<hbm>>
      tpu.wait_dma2 semaphore(%run_scoped3A : memref<!tpu.dma_semaphore, #tpu.memory_space<semaphore_mem>>) src(%arg6 : memref<35280xf32, #tpu.memory_space<vmem>>) dst(%dma_wait3A_22 : memref<35280xf32, #tpu.memory_space<hbm>>)
      tpu.yield
    }) : () -> ()
    return
  }
}

module attributes {stable_mosaic.version = 14 : i64} {
  func.func @_idx_body(%arg0: i32, %arg1: memref<4x3xf32, #tpu.memory_space<vmem>>, %arg2: memref<1x3xf32, #tpu.memory_space<vmem>>, %arg3: memref<1x3xi32, #tpu.memory_space<vmem>>, %arg4: memref<1x45xi32, #tpu.memory_space<vmem>>, %arg5: memref<512x4xf32, #tpu.memory_space<vmem>>, %arg6: memref<512x45xi32, #tpu.memory_space<vmem>>) attributes {dimension_semantics = [#tpu.dimension_semantics<arbitrary>], iteration_bounds = array<i64: 98>, scalar_prefetch = 0 : i64, scratch_operands = 0 : i64, tpu.core_type = #tpu.core_type<tc>, window_params = [{pipeline_mode = #tpu.pipeline_mode<synchronous>, transform_indices = @transform_0, window_bounds = array<i64: 4, 3>}, {pipeline_mode = #tpu.pipeline_mode<synchronous>, transform_indices = @transform_1, window_bounds = array<i64: 1, 3>}, {pipeline_mode = #tpu.pipeline_mode<synchronous>, transform_indices = @transform_2, window_bounds = array<i64: 1, 3>}, {pipeline_mode = #tpu.pipeline_mode<synchronous>, transform_indices = @transform_3, window_bounds = array<i64: 1, 45>}, {transform_indices = @transform_4, window_bounds = array<i64: 512, 4>}, {transform_indices = @transform_5, window_bounds = array<i64: 512, 45>}]} {
    %get3A = arith.constant 0 : index
    %get3A_0 = arith.constant 0 : index
    %get3A_1 = vector.load %arg5[%get3A, %get3A_0] : memref<512x4xf32, #tpu.memory_space<vmem>>, vector<512x4xf32>
    %get3A_2 = arith.constant 0 : index
    %get3A_3 = arith.constant 0 : index
    %get3A_4 = vector.load %arg1[%get3A_2, %get3A_3] : memref<4x3xf32, #tpu.memory_space<vmem>>, vector<4x3xf32>
    %dot_general3A = arith.constant dense<0.000000e+00> : vector<512x3xf32>
    %dot_general3A_5 = tpu.matmul %get3A_1, %get3A_4, %dot_general3A {dimension_numbers = #tpu.dot_dimension_numbers<[1], [0], [0], [1], [0, 0, 1, 1], [], []>, transpose_lhs_hint = false} : vector<512x4xf32>, vector<4x3xf32>, vector<512x3xf32> -> vector<512x3xf32>
    %round3A = math.roundeven %dot_general3A_5 : vector<512x3xf32>
    %get3A_6 = arith.constant 0 : index
    %get3A_7 = arith.constant 0 : index
    %get3A_8 = vector.load %arg2[%get3A_6, %get3A_7] : memref<1x3xf32, #tpu.memory_space<vmem>>, vector<1x3xf32>
    %jit3A = arith.constant 0.000000e+00 : f32
    %max3A = vector.broadcast %jit3A : f32 to vector<512x3xf32>
    %max3A_9 = arith.maximumf %max3A, %round3A : vector<512x3xf32>
    %min3A = vector.broadcast %get3A_8 : vector<1x3xf32> to vector<512x3xf32>
    %min3A_10 = arith.minimumf %min3A, %max3A_9 : vector<512x3xf32>
    %convert_element_type3A = arith.fptosi %min3A_10 : vector<512x3xf32> to vector<512x3xi32>
    %get3A_11 = arith.constant 0 : index
    %get3A_12 = arith.constant 0 : index
    %get3A_13 = vector.load %arg3[%get3A_11, %get3A_12] : memref<1x3xi32, #tpu.memory_space<vmem>>, vector<1x3xi32>
    %mul3A = vector.broadcast %get3A_13 : vector<1x3xi32> to vector<512x3xi32>
    %mul3A_14 = arith.muli %convert_element_type3A, %mul3A : vector<512x3xi32>
    %reduce_sum3A = arith.constant dense<0> : vector<512xi32>
    %reduce_sum3A_15 = vector.multi_reduction <add>, %mul3A_14, %reduce_sum3A [1] : vector<512x3xi32> to vector<512xi32>
    %broadcast_in_dim3A = vector.shape_cast %reduce_sum3A_15 : vector<512xi32> to vector<512x1xi32>
    %get3A_16 = arith.constant 0 : index
    %get3A_17 = arith.constant 0 : index
    %get3A_18 = vector.load %arg4[%get3A_16, %get3A_17] : memref<1x45xi32, #tpu.memory_space<vmem>>, vector<1x45xi32>
    %add3A = vector.broadcast %broadcast_in_dim3A : vector<512x1xi32> to vector<512x45xi32>
    %add3A_19 = vector.broadcast %get3A_18 : vector<1x45xi32> to vector<512x45xi32>
    %add3A_20 = arith.addi %add3A, %add3A_19 : vector<512x45xi32>
    %swap3A = arith.constant 0 : index
    %swap3A_21 = arith.constant 0 : index
    %swap3A_22 = vector.load %arg6[%swap3A, %swap3A_21] : memref<512x45xi32, #tpu.memory_space<vmem>>, vector<512x45xi32>
    tpu.vector_store %arg6[%swap3A, %swap3A_21], %add3A_20 {strides = array<i32>} : memref<512x45xi32, #tpu.memory_space<vmem>>, vector<512x45xi32>,
    return
  }
  func.func @transform_0(%arg0: i32) -> (i32, i32) {
    %c0_i32 = arith.constant 0 : i32
    %c0_i32_0 = arith.constant 0 : i32
    %c0_i32_1 = arith.constant 0 : i32
    return %c0_i32, %c0_i32_0 : i32, i32
  }
  func.func @transform_1(%arg0: i32) -> (i32, i32) {
    %c0_i32 = arith.constant 0 : i32
    %c0_i32_0 = arith.constant 0 : i32
    %c0_i32_1 = arith.constant 0 : i32
    return %c0_i32, %c0_i32_0 : i32, i32
  }
  func.func @transform_2(%arg0: i32) -> (i32, i32) {
    %c0_i32 = arith.constant 0 : i32
    %c0_i32_0 = arith.constant 0 : i32
    %c0_i32_1 = arith.constant 0 : i32
    return %c0_i32, %c0_i32_0 : i32, i32
  }
  func.func @transform_3(%arg0: i32) -> (i32, i32) {
    %c0_i32 = arith.constant 0 : i32
    %c0_i32_0 = arith.constant 0 : i32
    %c0_i32_1 = arith.constant 0 : i32
    return %c0_i32, %c0_i32_0 : i32, i32
  }
  func.func @transform_4(%arg0: i32) -> (i32, i32) {
    %c0_i32 = arith.constant 0 : i32
    %c0_i32_0 = arith.constant 0 : i32
    return %arg0, %c0_i32 : i32, i32
  }
  func.func @transform_5(%arg0: i32) -> (i32, i32) {
    %c0_i32 = arith.constant 0 : i32
    %c0_i32_0 = arith.constant 0 : i32
    return %arg0, %c0_i32 : i32, i32
  }
}

module attributes {stable_mosaic.version = 14 : i64} {
  func.func @_softmax_body(%arg0: i32, %arg1: memref<512x45xf32, #tpu.memory_space<vmem>>, %arg2: memref<512x46xf32, #tpu.memory_space<vmem>>) attributes {dimension_semantics = [#tpu.dimension_semantics<arbitrary>], iteration_bounds = array<i64: 98>, scalar_prefetch = 0 : i64, scratch_operands = 0 : i64, tpu.core_type = #tpu.core_type<tc>, window_params = [{transform_indices = @transform_0, window_bounds = array<i64: 512, 45>}, {transform_indices = @transform_1, window_bounds = array<i64: 512, 46>}]} {
    %get3A = arith.constant 0 : index
    %get3A_0 = arith.constant 0 : index
    %get3A_1 = vector.load %arg1[%get3A, %get3A_0] : memref<512x45xf32, #tpu.memory_space<vmem>>, vector<512x45xf32>
    %reduce_max3A = arith.constant dense<0xFF800000> : vector<512xf32>
    %reduce_max3A_2 = vector.multi_reduction <maximumf>, %get3A_1, %reduce_max3A [1] : vector<512x45xf32> to vector<512xf32>
    %broadcast_in_dim3A = vector.shape_cast %reduce_max3A_2 : vector<512xf32> to vector<512x1xf32>
    %sub3A = vector.broadcast %broadcast_in_dim3A : vector<512x1xf32> to vector<512x45xf32>
    %sub3A_3 = arith.subf %get3A_1, %sub3A : vector<512x45xf32>
    %exp3A = math.exp %sub3A_3 : vector<512x45xf32>
    %reduce_sum3A = arith.constant dense<0.000000e+00> : vector<512xf32>
    %reduce_sum3A_4 = vector.multi_reduction <add>, %exp3A, %reduce_sum3A [1] : vector<512x45xf32> to vector<512xf32>
    %broadcast_in_dim3A_5 = vector.shape_cast %reduce_sum3A_4 : vector<512xf32> to vector<512x1xf32>
    %div3A = vector.broadcast %broadcast_in_dim3A_5 : vector<512x1xf32> to vector<512x45xf32>
    %div3A_6 = arith.divf %exp3A, %div3A : vector<512x45xf32>
    %broadcast_in_dim3A_7 = arith.constant 0.000000e+00 : f32
    %broadcast_in_dim3A_8 = vector.broadcast %broadcast_in_dim3A_7 : f32 to vector<512x1xf32>
    %concatenate3A = tpu.concatenate %div3A_6, %broadcast_in_dim3A_8 in 1 : vector<512x45xf32>, vector<512x1xf32> -> vector<512x46xf32>
    %swap3A = arith.constant 0 : index
    %swap3A_9 = arith.constant 0 : index
    %swap3A_10 = vector.load %arg2[%swap3A, %swap3A_9] : memref<512x46xf32, #tpu.memory_space<vmem>>, vector<512x46xf32>
    tpu.vector_store %arg2[%swap3A, %swap3A_9], %concatenate3A {strides = array<i32>} : memref<512x46xf32, #tpu.memory_space<vmem>>, vector<512x46xf32>,
    return
  }
  func.func @transform_0(%arg0: i32) -> (i32, i32) {
    %c0_i32 = arith.constant 0 : i32
    %c0_i32_0 = arith.constant 0 : i32
    return %arg0, %c0_i32 : i32, i32
  }
  func.func @transform_1(%arg0: i32) -> (i32, i32) {
    %c0_i32 = arith.constant 0 : i32
    %c0_i32_0 = arith.constant 0 : i32
    return %arg0, %c0_i32 : i32, i32
  }
}

</mosaic_0001>

<sc_bundles>
// kernel: kernel.5.cloned.1.call-start
scs
__scs_entry_jumppad:
0x0: {  	(pc) =	sbr.rel $0x88, $3  }
0x1: {  	(tag) =	ssettag $0x0;
	lr =	simm.s32 $0x1  }
0x2: {  	[smem:$0x3F9D] =	sst lr;
	_ =	strace $0xD0000000  }
0x3: {  	_ = 	snop  }
0x4: {  	_ = 	snop  }
0x5: {  	_ = 	snop  }
0x6: {  	_ = 	snop  }
0x7: {  	_ = 	snop  }
__scs_overlays_trampoline_lowered:
0x8: {  	[smem:$0x3FAC] =	sst s0  }
0x9: {  	[smem:$0x3FAD] =	sst s1  }
0xa: {  	[smem:$0x3FAE] =	sst s2  }
0xb: {  	[smem:$0x3FAF] =	sst s3  }
0xc: {  	[smem:$0x3FB0] =	sst s4  }
0xd: {  	[smem:$0x3FB1] =	sst s5  }
0xe: {  	[smem:$0x3FB2] =	sst s6  }
0xf: {  	[smem:$0x3FB3] =	sst s7  }
0x10: {  	[smem:$0x3FB4] =	sst s8  }
0x11: {  	[smem:$0x3FB5] =	sst s9;
	s0 =	simm.s32 @!p0 $0x0  }
0x12: {  	s1 =	sld [smem:$0x3F9B];
	s0 =	simm.s32 @p0 $0x1  }
0x13: {  	[smem:$0x3FB6] =	sst s0;
	s0 =	simm.s32 @!p1 $0x0  }
0x14: {  	s2 =	sld [smem:$0x3F9A];
	s0 =	simm.s32 @p1 $0x1  }
0x15: {  	[smem:$0x3FB7] =	sst s0;
	s0 =	simm.s32 @!p2 $0x0  }
0x16: {  	s3 =	sld [smem:$0x3FDB];
	s0 =	simm.s32 @p2 $0x1  }
0x17: {  	s4 =	simm.s32 $0x1BF5;
	[smem:$0x3FB9] =	sst s0  }
0x18: {  	s0 =	sld [smem:$0x3F9C];
	_ =	swait.ge [sflag:s4], $0x0  }
0x19: {  	s7 =	sld [smem:$0x3F9D]  }
0x1a: {  	s8 =	sadd.s32 $0xFFFFE003, lr  }
0x1b: {  	s9 =	sadd.s32 $0xFFFFFEF7, lr;
	s5 =	simm.s32 $0xFFFFFFFF;
	p2 =	slt.u32 s8, $0xFFFFF086  }
0x1c: {  	p1 =	slt.u32 s9, $0xF7A;
	s5 =	simm.s32 @!p2 $0x0  }
0x1d: {  	s5 =	simm.s32 @p1 $0x1;
	p0 =	seq.s32 s7, s2  }
0x1e: {  	s7 =	smul.u32 @!p0 $0xF7A, s2;
	p2 =	seq.s32 @!p0 s5, $0x0  }
0x1f: {  	s9 =	smul.u32 $0xF7A, s1;
	s8 =	simm.s32 @!p0 $0x1BF5;
	p2 =	por !p2, p0  }
0x20: {  	[sflag:s8] =	ssyncset.s32 @!p0 $0xFFFFF086;
	s6 =	sadd.s32 @!p0 s3, s7;
	s7 =	simm.s32 @!p0 $0x108  }
0x21: {  	s3 =	sadd.s32 s3, s9;
	s6 =	sadd.s32 @!p0 $0x88, s6;
	s7 =	simm.s32 @p2 $0x1082  }
0x22: {  	[simem:s7], [sflag:s8] =	dma.local @!p0 [hbm:s6], $0xF7A  }
0x23: {  	s9 =	sor.u32 $0xD0000000, s2;
	s6 =	simm.s32 $0x108;
	_ =	swait.ge @!p0 [sflag:s8], $0x0  }
0x24: {  	s3 =	sadd.s32 $0x88, s3;
	s6 =	simm.s32 @!p1 $0x1082;
	[sflag:s4] =	ssyncset.s32 $0xFFFFF086  }
0x25: {  	[simem:s6], [sflag:s4] =	dma.local [hbm:s3], $0xF7A  }
0x26: {  	[smem:$0x3F9D] =	sst s1;
	(tag) =	ssettag s2;
	_ =	strace s9  }
0x27: {  	s1 =	sld [smem:$0x3FAD]  }
0x28: {  	s2 =	sld [smem:$0x3FAE]  }
0x29: {  	s4 =	sld [smem:$0x3FB0]  }
0x2a: {  	p0 =	seq.s32 s5, $0x0;
	s5 =	sld [smem:$0x3FB1]  }
0x2b: {  	s6 =	sld [smem:$0x3FB2]  }
0x2c: {  	s7 =	sld [smem:$0x3FB3]  }
0x2d: {  	s3 =	simm.s32 $0x108;
	s8 =	sld [smem:$0x3FB4]  }
0x2e: {  	s3 =	simm.s32 @!p0 $0x1082;
	s9 =	sld [smem:$0x3FB5]  }
0x2f: {  	lr =	sadd.s32 s0, s3;
	s0 =	sld [smem:$0x3FAC]  }
0x30: {  	s3 =	sld [smem:$0x3FAF]  }
0x31: {  	[smem:$0x3FB8] =	sst s10  }
0x32: {  	s10 =	sld [smem:$0x3FB6];
	_ =	sdelay $0x3  }
0x33: {  	p0 =	seq.s32 s10, $0x1;
	s10 =	sld [smem:$0x3FB8];
	_ =	sdelay $0x3  }
0x34: {  	[smem:$0x3FB8] =	sst s10  }
0x35: {  	s10 =	sld [smem:$0x3FB7];
	_ =	sdelay $0x3  }
0x36: {  	p1 =	seq.s32 s10, $0x1;
	s10 =	sld [smem:$0x3FB8];
	_ =	sdelay $0x3  }
0x37: {  	[smem:$0x3FB8] =	sst s10  }
0x38: {  	s10 =	sld [smem:$0x3FB9]  }
0x39: {  	_ = 	snop;
	(pc) =	sbr.ind lr, $3  }
0x3a: {  	_ = 	snop  }
0x3b: {  	_ = 	snop  }
0x3c: {  	p2 =	seq.s32 s10, $0x1;
	s10 =	sld [smem:$0x3FB8]  }
0x3d: {  	_ =	shalt  }
0x3e: {  	_ =	shalt  }
0x3f: {  	_ =	shalt  }
0x40: {  	_ =	shalt  }
0x41: {  	_ =	shalt  }
0x42: {  	_ =	shalt  }
0x43: {  	_ =	shalt  }
0x44: {  	_ =	shalt  }
0x45: {  	_ =	shalt  }
0x46: {  	_ =	shalt  }
0x47: {  	_ =	shalt  }
0x48: {  	_ =	shalt  }
0x49: {  	_ =	shalt  }
0x4a: {  	_ =	shalt  }
0x4b: {  	_ =	shalt  }
0x4c: {  	_ =	shalt  }
0x4d: {  	_ =	shalt  }
0x4e: {  	_ =	shalt  }
0x4f: {  	_ =	shalt  }
0x50: {  	_ =	shalt  }
0x51: {  	_ =	shalt  }
0x52: {  	_ =	shalt  }
0x53: {  	_ =	shalt  }
0x54: {  	_ =	shalt  }
0x55: {  	_ =	shalt  }
0x56: {  	_ =	shalt  }
0x57: {  	_ =	shalt  }
0x58: {  	_ =	shalt  }
0x59: {  	_ =	shalt  }
0x5a: {  	_ =	shalt  }
0x5b: {  	_ =	shalt  }
0x5c: {  	_ =	shalt  }
0x5d: {  	_ =	shalt  }
0x5e: {  	_ =	shalt  }
0x5f: {  	_ =	shalt  }
0x60: {  	_ =	shalt  }
0x61: {  	_ =	shalt  }
0x62: {  	_ =	shalt  }
0x63: {  	_ =	shalt  }
0x64: {  	_ =	shalt  }
0x65: {  	_ =	shalt  }
0x66: {  	_ =	shalt  }
0x67: {  	_ =	shalt  }
0x68: {  	_ =	shalt  }
0x69: {  	_ =	shalt  }
0x6a: {  	_ =	shalt  }
0x6b: {  	_ =	shalt  }
0x6c: {  	_ =	shalt  }
0x6d: {  	_ =	shalt  }
0x6e: {  	_ =	shalt  }
0x6f: {  	_ =	shalt  }
0x70: {  	_ =	shalt  }
0x71: {  	_ =	shalt  }
0x72: {  	_ =	shalt  }
0x73: {  	_ =	shalt  }
0x74: {  	_ =	shalt  }
0x75: {  	_ =	shalt  }
0x76: {  	_ =	shalt  }
0x77: {  	_ =	shalt  }
0x78: {  	_ =	shalt  }
0x79: {  	_ =	shalt  }
0x7a: {  	_ =	shalt  }
0x7b: {  	_ =	shalt  }
0x7c: {  	_ =	shalt  }
0x7d: {  	_ =	shalt  }
0x7e: {  	_ =	shalt  }
0x7f: {  	_ =	shalt  }
0x80: {  	_ =	shalt  }
0x81: {  	_ =	shalt  }
0x82: {  	_ =	shalt  }
0x83: {  	_ =	shalt  }
0x84: {  	_ =	shalt  }
0x85: {  	_ =	shalt  }
0x86: {  	_ =	shalt  }
0x87: {  	_ =	shalt  }
.Lfunc_end0:
.L_simem_size_0:
called_computation_lowered:
.L_overlay_start_0:
0x88: {  	s2 =	sld [smem:$0x3FD9]  }
0x89: {  	s3 =	sld [smem:$0x3FFE];
	_ =	sdelay $0x1  }
0x8a: {  	s1 =	srdreg.scid  }
0x8b: {  	s0 =	sand.u32 $0x1, s1  }
0x8c: {  	s17 =	sshll.u32 s0, $0xA;
	s2 =	sadd.s32 s3, s2  }
0x8d: {  	s2 =	sadd.s32 s2, s17  }
0x8e: {  	[smem:$0x3FC4] =	sst s2  }
0x8f: {  	_ = 	snop  }
0x90: {  	s2 =	sld [smem:$0x3FD0];
	(tm) =	ssettm $0x1  }
0x91: {  	s18 =	sld [smem:$0x3FFB];
	_ =	sdelay $0x3  }
0x92: {  	_ =	strace s18  }
0x93: {  	s3 =	sld [smem:$0x3FFC];
	_ =	sdelay $0x3  }
0x94: {  	_ =	strace s3  }
0x95: {  	s3 =	sld [smem:$0x3FFD];
	_ =	sdelay $0x3  }
0x96: {  	_ =	strace s3  }
0x97: {  	_ =	strace $0x8FFFFFFF  }
0x98: {  	s19 =	sld [smem:$0x3FDB];
	_ =	sdelay $0x1  }
0x99: {  	s4 =	simm.s32 $_scs_section_size  }
0x9a: {  	s5 =	simm.s32 $_size__tile_overlayer_lowered;
	s6 =	simm.s32 $_tile_overlayer_lowered  }
0x9b: {  	s22 =	simm.s32 $0x1BFF;
	s21 =	sshll.u32 s6, $0x1;
	s3 =	sadd.s32 s4, s19  }
0x9c: {  	s7 =	simm.s32 $0x0;
	s20 =	sshll.u32 s5, $0x1;
	s5 =	sadd.s32 s21, s3  }
0x9d: {  	[timem:s7], [sflag:s22] =	dma.local [hbm:s5], s20  }
0x9e: {  	_ =	swait.ge [sflag:s22], s20  }
0x9f: {  	s4 =	ssub.s32 $0x0, s20;
	[sflag:s22] =	ssyncset.done $0x0  }
0xa0: {  	[sflag:s22] =	ssyncadd.s32 s4;
	_ =	sdelay $0x1  }
0xa1: {  	s23 =	simm.s32 $0x1B8B  }
0xa2: {  	_ =	swait.ge [sflag:s23], $0x1  }
0xa3: {  	[sflag:s23] =	ssyncset.done $0x0  }
0xa4: {  	s25 =	simm.s32 $0x1B8E;
	s24 =	sld [smem:$0x3FFE];
	[sflag:s23] =	ssyncadd.s32 $0xFFFFFFFF  }
0xa5: {  	s26 =	simm.s32 $execute0_lowered;
	[smem:$0x3FD2] =	sst s25  }
0xa6: {  	s5 =	sshll.u32 s26, $0x1;
	_ =	strace $0x80000046;
	[dreg:$0x1] =	wrdreg $0xFFFFFFFF  }
0xa7: {  	s28 =	simm.s32 $_size_execute0_lowered;
	s3 =	sadd.s32 s3, s5;
	[dreg:$0x0] =	wrdreg $0x0  }
0xa8: {  	s5 =	sshll.u32 s28, $0x1;
	[dreg:$0x2] =	wrdreg s3  }
0xa9: {  	[dreg:$0x3] =	wrdreg s5  }
0xaa: {  	[dreg:$0x4] =	wrdreg $0xC0  }
0xab: {  	_ =	task [dreg:s7], $0x5FFFF  }
0xac: {  	[dreg:$0x1] =	wrdreg $0xFFFFFFFF  }
0xad: {  	[dreg:$0x0] =	wrdreg $0x60  }
0xae: {  	[dreg:$0x2] =	wrdreg s2  }
0xaf: {  	[dreg:$0x3] =	wrdreg s24  }
0xb0: {  	[dreg:$0x4] =	wrdreg $0x9  }
0xb1: {  	_ =	task.clear_ibuf [dreg:s7], $0x5FFFF;
	_ =	strace $0x90000046  }
0xb2: {  	s29 =	simm.s32 $0x9;
	_ =	strace $0x80000048  }
0xb3: {  	_ =	swait.ge [sflag:s29], $0x1  }
0xb4: {  	[sflag:s29] =	ssyncadd.s32 $0xFFFFFFFF  }
0xb5: {  	_ =	strace $0x90000048  }
0xb6: {  	_ =	sfence  }
0xb7: {  	s30 =	sld [smem:$0x0];
	_ =	sdelay $0x2  }
0xb8: {  	s31 =	sshll.u32 s1, $0xD;
	s1 =	sshrl.u32 s1, $0x2  }
0xb9: {  	s3 =	sand.u32 $0x4000, s31;
	s1 =	sadd.s32 s1, s30  }
0xba: {  	s0 =	sor.u32 s3, s0;
	s1 =	sshll.u32 s1, $0x11  }
0xbb: {  	s0 =	sor.u32 s1, s0  }
0xbc: {  	s0 =	sadd.s32 $0x8F2B, s0  }
0xbd: {  	[sflag:s0] =	ssyncadd.remote.s32 $0x1  }
0xbe: {  	_ =	sfence.sel $0xFFFF  }
0xbf: {  	[dreg:$0x0] =	wrdreg $0xFFFFFFFF;
	(pc) =	sbr.abs _section_cstart, $3  }
0xc0: {  	[dreg:$0x1] =	wrdreg $0xFFFFFFFF  }
0xc1: {  	_ =	task.clear_ibuf [dreg:s7], $0x2FFFF;
	_ =	strace $0x9FFFFFFF  }
0xc2: {  	(tm) =	ssettm $0x7FFFFFFF  }
0xc3: {  	_ =	shalt  }
tec
execute0_lowered:
.L_overlay_start_1:
0x0: {  	(tag) =	ssettag $0x1  }
0x1: {  	s1 =	srdreg.scid;
	s0 =	stileid.u32  }
0x2: {  	s10 =	sand.u32 $0x1, s1;
	s29 =	sshll.u32 s0, $0x1  }
0x3: {  	s9 =	rddreg [dreg:$0x0];
	s11 =	sor.u32 s10, s29  }
0x4: {  	s8 =	rddreg [dreg:$0x1];
	s2 =	simm.s32 $0x0;
	s12 =	smul.u32 $0x2274, s11  }
0x5: {  	s3 =	simm.s32 $0x2;
	[smem:$0x7FF] =	sst s2  }
0x6: {  	s1 =	rddreg [dreg:$0x2];
	_ =	strace $0x80000047;
	s4 =	sadd.s32 s9, s12  }
0x7: {  	[tilespmem:s2], [sflag:$0x2] =	stream.linear.gather [hbm4b:s4+s2], $0x89D0, $0x38;
	[tilespmem:$0x113A0] =	vst v63  }
0x8: {  	_ =	swait.ge [sflag:s3], $0x89D0  }
0x9: {  	s6 =	simm.s32 $0x89D0;
	[sflag:s3] =	ssyncset.done $0x0  }
0xa: {  	s7 =	simm.s32 $0x1;
	s5 =	sadd.s32 $0x2000A00, s8;
	[sflag:s3] =	ssyncadd.s32 $0xFFFF7630  }
0xb: {  	[tilespmem:s6], [sflag:$0x1] =	stream.indirect.gather [hbm4b:s5+s6], $0x1, s2, s6, $0xb8;
	[tilespmem:$0x113A0] =	vst v63  }
0xc: {  	_ =	swait.ge [sflag:s7], $0x89D0  }
0xd: {  	s13 =	sadd.s32 $0xA00, s8;
	[sflag:s7] =	ssyncset.done $0x0  }
0xe: {  	s11 =	smul.u32 $0x113A0, s11;
	s8 =	sadd.s32 s13, s12;
	[sflag:s7] =	ssyncadd.s32 $0xFFFF7630  }
0xf: {  	[hbm4b:s8+s2] =	stream.linear.scatter [tilespmem:s6], [sflag:$0x2], $0x89D0, $0x38;
	[tilespmem:$0x113A0] =	vst v63  }
0x10: {  	s11 =	sshrl.u32 s11, $0x3;
	_ =	swait.ge [sflag:s3], $0x89D0  }
0x11: {  	s11 =	sadd.s32 $0x113A, s11;
	[sflag:s3] =	ssyncset.done $0x0  }
0x12: {  	s10 =	ssub.s32 $0x2, s10;
	s9 =	sadd.s32 s9, s11;
	[sflag:s3] =	ssyncadd.s32 $0xFFFF7630  }
0x13: {  	[tilespmem:s2], [sflag:$0x2] =	stream.linear.gather [hbm4b:s9+s2], $0x89D0, $0x38;
	[tilespmem:$0x113A0] =	vst v63  }
0x14: {  	s30 =	sshrl.u32 s10, $0x1;
	_ =	swait.ge [sflag:s3], $0x89D0  }
0x15: {  	s12 =	ssub.s32 s10, s30;
	[sflag:s3] =	ssyncset.done $0x0  }
0x16: {  	s31 =	smax.u32 s12, $0x1;
	[sflag:s3] =	ssyncadd.s32 $0xFFFF7630  }
0x17: {  	[tilespmem:s6], [sflag:$0x1] =	stream.indirect.gather [hbm4b:s5+s6], $0x1, s2, s6, $0xb8;
	[tilespmem:$0x113A0] =	vst v63  }
0x18: {  	p0 =	sne.s32 s31, $0x1;
	_ =	swait.ge [sflag:s7], $0x89D0  }
.Ltmp0:
0x19: {  	[sflag:s7] =	ssyncset.done $0x0;
	(pc) =	sbr.rel @!p0 .LBB2_2-.Ltmp0, $4  }
0x1a: {  	s10 =	sadd.s32 s13, s11;
	[sflag:s7] =	ssyncadd.s32 $0xFFFF7630  }
0x1b: {  	[hbm4b:s10+s2] =	stream.linear.scatter [tilespmem:s6], [sflag:$0x2], $0x89D0, $0x38;
	[tilespmem:$0x113A0] =	vst v63  }
0x1c: {  	_ =	swait.ge [sflag:s3], $0x89D0  }
0x1d: {  	s11 =	sadd.s32 $0xFFFFFFFF, s31;
	[sflag:s3] =	ssyncset.done $0x0  }
.LBB2_1:
0x1e: {  	p0 =	sne.s32 s11, $0x1;
	s11 =	sadd.s32 $0xFFFFFFFF, s11;
	[sflag:s3] =	ssyncadd.s32 $0xFFFF7630  }
0x1f: {  	[tilespmem:s2], [sflag:$0x2] =	stream.linear.gather [hbm4b:s4+s2], $0x89D0, $0x38;
	[tilespmem:$0x113A0] =	vst v63  }
0x20: {  	_ =	swait.ge [sflag:s3], $0x89D0  }
0x21: {  	[sflag:s3] =	ssyncset.done $0x0  }
0x22: {  	[sflag:s3] =	ssyncadd.s32 $0xFFFF7630  }
0x23: {  	[tilespmem:s6], [sflag:$0x1] =	stream.indirect.gather [hbm4b:s5+s6], $0x1, s2, s6, $0xb8;
	[tilespmem:$0x113A0] =	vst v63  }
0x24: {  	_ =	swait.ge [sflag:s7], $0x89D0  }
0x25: {  	[sflag:s7] =	ssyncset.done $0x0  }
0x26: {  	[sflag:s7] =	ssyncadd.s32 $0xFFFF7630  }
0x27: {  	[hbm4b:s8+s2] =	stream.linear.scatter [tilespmem:s6], [sflag:$0x2], $0x89D0, $0x38;
	[tilespmem:$0x113A0] =	vst v63  }
0x28: {  	_ =	swait.ge [sflag:s3], $0x89D0  }
0x29: {  	[sflag:s3] =	ssyncset.done $0x0  }
0x2a: {  	[sflag:s3] =	ssyncadd.s32 $0xFFFF7630  }
0x2b: {  	[tilespmem:s2], [sflag:$0x2] =	stream.linear.gather [hbm4b:s9+s2], $0x89D0, $0x38;
	[tilespmem:$0x113A0] =	vst v63  }
0x2c: {  	_ =	swait.ge [sflag:s3], $0x89D0  }
0x2d: {  	[sflag:s3] =	ssyncset.done $0x0  }
0x2e: {  	[sflag:s3] =	ssyncadd.s32 $0xFFFF7630  }
0x2f: {  	[tilespmem:s6], [sflag:$0x1] =	stream.indirect.gather [hbm4b:s5+s6], $0x1, s2, s6, $0xb8;
	[tilespmem:$0x113A0] =	vst v63  }
0x30: {  	_ =	swait.ge [sflag:s7], $0x89D0  }
.Ltmp1:
0x31: {  	[sflag:s7] =	ssyncset.done $0x0;
	(pc) =	sbr.rel @p0 .LBB2_1-.Ltmp1, $4  }
0x32: {  	[sflag:s7] =	ssyncadd.s32 $0xFFFF7630  }
0x33: {  	[hbm4b:s10+s2] =	stream.linear.scatter [tilespmem:s6], [sflag:$0x2], $0x89D0, $0x38;
	[tilespmem:$0x113A0] =	vst v63  }
0x34: {  	_ =	swait.ge [sflag:s3], $0x89D0  }
0x35: {  	[sflag:s3] =	ssyncset.done $0x0  }
.LBB2_2:
0x36: {  	[sflag:s3] =	ssyncadd.s32 $0xFFFF7630  }
0x37: {  	_ =	sfence.sel $0x180000  }
0x38: {  	[bflag:$0x0] =	sbarrier.arrive $0xFFFF  }
0x39: {  	p0 =	sne.s32 s0, $0x0;
	_ =	strace $0x90000047  }
0x3a: {  	s0 =	sadd.s32 @!p0 $0x100000, s1;
	[bflag:$0x2] =	sbarrier.arrive $0xFFFF  }
0x3b: {  	[sflag:s0] =	ssyncadd.tile.s32 @!p0 $0x1;
	_ =	shalt  }
.Lfunc_end2:
_tile_overlayer_lowered:
.L_overlay_start_2:
0x3c: {  	(tag) =	ssettag $0x2  }
0x3d: {  	s0 =	rddreg [dreg:$0x0];
	s2 =	stileid.u32  }
0x3e: {  	s1 =	rddreg [dreg:$0x1];
	p0 =	sne.s32 s2, $0x0  }
0x3f: {  	s3 =	rddreg [dreg:$0x2];
	[bflag:$0x3] =	sbarrier.arrive $0xFFFF;
	s2 =	simm.s32 @!p0 $0x1C02  }
0x40: {  	[timem:s3], [sflag:s2] =	dma.local @!p0 [hbm:s0], s1  }
0x41: {  	s0 =	simm.s32 @!p0 $0x2  }
0x42: {  	_ =	swait.ge @!p0 [sflag:s0], s1  }
0x43: {  	s1 =	ssub.s32 @!p0 $0x0, s1;
	[sflag:s0] =	ssyncset.done @!p0 $0x0  }
0x44: {  	[sflag:s0] =	ssyncadd.s32 @!p0 s1  }
0x45: {  	[bflag:$0x3] =	sbarrier.arrive $0xFFFF  }
0x46: {  	_ =	shalt  }

</sc_bundles>
